<compile_context>
chip_gen: v7x
topology: tpu7x:2x2x1
jax: 0.10.2.dev20260603
libtpu: 0.0.44.dev20260713+nightly
codegen_flags: <defaults>
</compile_context>

<pallas_src>
import functools

import jax
import jax.numpy as jnp
from jax import lax
from jax.experimental import pallas as pl
from jax.experimental.pallas import tpu as pltpu
from jax.experimental.pallas import tpu_sc as plsc

_B = 1024
_NI = 512
_NO = 64
_H = 128

_OB = 32
_G = _NO // _OB

_NC = 2
_NS = 16
_NW = _NC * _NS
_BPW = _B // _NW
_L = 16


def _scores_body(l1_ref, l2_ref, l3_ref, state_ref, scores_ref, v_s):
    o = pl.program_id(0)

    @pl.when(o < _G)
    def _build_v():
        l1b = l1_ref[...]
        l2b = l2_ref[...]
        l3b = l3_ref[...]
        u = lax.dot_general(l3b, l2b, (((1,), (2,)), ((0,), (0,))),
                            preferred_element_type=jnp.float32)
        vrow = lax.dot_general(u, l1b, (((2,), (2,)), ((0,), (0,))),
                               preferred_element_type=jnp.float32)
        v_s[pl.ds(o * _OB, _OB), :] = vrow.reshape(_OB, _NI)

    @pl.when(o == _G)
    def _contract():
        scores_ref[...] = lax.dot_general(
            state_ref[...], v_s[...], (((1,), (1,)), ((), ())),
            preferred_element_type=jnp.float32)


def _tc_scores(linear1, linear2, linear3, state):
    clamp = lambda o: (jnp.minimum(o, _G - 1), 0, 0)
    return pl.pallas_call(
        _scores_body,
        grid=(_G + 1,),
        in_specs=[
            pl.BlockSpec((_OB, _NI, _H), clamp),
            pl.BlockSpec((_OB, _H, _H), clamp),
            pl.BlockSpec((_OB, _H, 1), clamp),
            pl.BlockSpec((_B, _NI), lambda o: (0, 0)),
        ],
        out_specs=pl.BlockSpec((_B, _NO), lambda o: (0, 0)),
        out_shape=jax.ShapeDtypeStruct((_B, _NO), jnp.float32),
        scratch_shapes=[pltpu.VMEM((_NO, _NI), jnp.float32)],
    )(linear1, linear2, linear3, state)


@functools.partial(
    pl.kernel,
    mesh=plsc.VectorSubcoreMesh(core_axis_name="c", subcore_axis_name="s"),
    out_type=jax.ShapeDtypeStruct((_B,), jnp.float32),
    scratch_types=[
        pltpu.VMEM((_BPW,), jnp.int32),
        pltpu.VMEM((_BPW * _NO,), jnp.float32),
        pltpu.VMEM((_BPW,), jnp.float32),
    ],
    compiler_params=pltpu.CompilerParams(needs_layout_passes=False),
)
def _sc_select(scores_hbm, opt_hbm, out_hbm, idx_v, sc_v, out_v):
    wid = lax.axis_index("s") * _NC + lax.axis_index("c")
    base = wid * _BPW
    pltpu.sync_copy(scores_hbm.at[pl.ds(base * _NO, _BPW * _NO)], sc_v)
    pltpu.sync_copy(opt_hbm.at[pl.ds(base, _BPW)], idx_v)
    for g in range(_BPW // _L):
        tok = g * _L + lax.broadcasted_iota(jnp.int32, (_L,), 0)
        fidx = tok * _NO + idx_v[pl.ds(g * _L, _L)]
        out_v[pl.ds(g * _L, _L)] = plsc.load_gather(sc_v, [fidx])
    pltpu.sync_copy(out_v, out_hbm.at[pl.ds(base, _BPW)])


def kernel(state, option, action, linear1, linear2, linear3):
    scores = _tc_scores(linear1, linear2, linear3, state)
    opt = option.astype(jnp.int32).reshape(_B)
    out = _sc_select(scores.reshape(_B * _NO), opt)
    return out.reshape(_B, 1)

# --- scband reference (transcript-rebuilt; emitter-appended) ---
"""Pipeline reference for scband-different-soft-qnetwork-87737591923446 (READ-ONLY COPY).

The authoritative reference and input builder live on the scoring server;
editing this copy changes nothing except your own understanding.
"""

import jax, jax.numpy as jnp
import numpy as np

B = 1024
NUM_INPUTS = 512
NUM_OPTIONS = 64
NUM_ACTIONS = 8
HIDDEN = 128
INIT_W = 0.003


def setup_inputs(seed: int = 0) -> dict:
    key = jax.random.key(seed)
    k1, k2, k3, k4, k5, k6 = jax.random.split(key, 6)
    state = jax.random.normal(k1, (B, NUM_INPUTS), dtype=jnp.float32)
    option = jax.random.randint(k2, (B, 1), 0, NUM_OPTIONS, dtype=jnp.int32)
    action = jax.random.normal(k3, (B, NUM_ACTIONS), dtype=jnp.float32)
    linear1 = jax.random.uniform(k4, (NUM_OPTIONS, NUM_INPUTS, HIDDEN), minval=-INIT_W, maxval=INIT_W, dtype=jnp.float32)
    linear2 = jax.random.uniform(k5, (NUM_OPTIONS, HIDDEN, HIDDEN), minval=-INIT_W, maxval=INIT_W, dtype=jnp.float32)
    linear3 = jax.random.uniform(k6, (NUM_OPTIONS, HIDDEN, 1), minval=-INIT_W, maxval=INIT_W, dtype=jnp.float32)
    return {"state": state, "option": option, "action": action,
            "linear1": linear1, "linear2": linear2, "linear3": linear3}


def reference(state, option, action, linear1, linear2, linear3):
    # option.long().flatten()
    opt = option.astype(jnp.int32).reshape(-1)
    # x = matmul(state.unsqueeze(1), linear1[opt])
    w1 = jnp.take(linear1, opt, axis=0)            # [B, NUM_INPUTS, HIDDEN] gather
    x = jnp.matmul(state[:, None, :], w1)          # [B, 1, HIDDEN]
    w2 = jnp.take(linear2, opt, axis=0)            # [B, HIDDEN, HIDDEN] gather
    x = jnp.matmul(x, w2)                          # [B, 1, HIDDEN]
    w3 = jnp.take(linear3, opt, axis=0)            # [B, HIDDEN, 1] gather
    x = jnp.matmul(x, w3).reshape(-1, 1)           # [B, 1]
    return x

if __name__ == "__main__":
    import jax
    _d = setup_inputs()
    print(jax.jit(kernel)(*tuple(_d.values())))

</pallas_src>

<mosaic_0001>
#map = affine_map<(d0, d1) -> (0)>
module attributes {stable_mosaic.version = 14 : i64} {
  func.func @_sc_select(%arg0: i32, %arg1: i32, %arg2: memref<65536xf32, #tpu.memory_space<hbm>>, %arg3: memref<1024xi32, #tpu.memory_space<hbm>>, %arg4: memref<1024xf32, #tpu.memory_space<hbm>>, %arg5: memref<32xi32, #tpu.memory_space<vmem>>, %arg6: memref<2048xf32, #tpu.memory_space<vmem>>, %arg7: memref<32xf32, #tpu.memory_space<vmem>>) attributes {dimension_semantics = [#tpu.dimension_semantics<core_parallel>, #tpu.dimension_semantics<subcore_parallel>], iteration_bounds = array<i64: 2, 16>, scalar_prefetch = 0 : i64, scratch_operands = 3 : i64, tpu.core_type = #tpu.core_type<sc_vector_subcore>, window_params = [{transform_indices = #map}, {transform_indices = #map}, {transform_indices = #map}]} {
    %mul3A = arith.constant 2 : i32
    %mul3A_0 = arith.muli %arg1, %mul3A : i32
    %add3A = arith.addi %mul3A_0, %arg0 : i32
    %mul3A_1 = arith.constant 32 : i32
    %mul3A_2 = arith.muli %add3A, %mul3A_1 : i32
    %mul3A_3 = arith.constant 64 : i32
    %mul3A_4 = arith.muli %mul3A_2, %mul3A_3 : i32
    "tpu.region"() ({
      %run_scoped3A = tpu.sem_alloc : memref<!tpu.dma_semaphore, #tpu.memory_space<semaphore_mem>>
      %dma_start3A = tpu.memref_slice %arg2[%mul3A_4] : memref<65536xf32, #tpu.memory_space<hbm>> -> memref<2048xf32, #tpu.memory_space<hbm>>
      %dma_start3A_27 = tpu.memref_slice %arg2[%mul3A_4] : memref<65536xf32, #tpu.memory_space<hbm>> -> memref<2048xf32, #tpu.memory_space<hbm>>
      tpu.enqueue_dma source(%dma_start3A_27 : memref<2048xf32, #tpu.memory_space<hbm>>) target(%arg6 : memref<2048xf32, #tpu.memory_space<vmem>>) target_semaphore(%run_scoped3A : memref<!tpu.dma_semaphore, #tpu.memory_space<semaphore_mem>>)
      %dma_wait3A = tpu.memref_slice %arg2[%mul3A_4] : memref<65536xf32, #tpu.memory_space<hbm>> -> memref<2048xf32, #tpu.memory_space<hbm>>
      %dma_wait3A_28 = tpu.memref_slice %arg2[%mul3A_4] : memref<65536xf32, #tpu.memory_space<hbm>> -> memref<2048xf32, #tpu.memory_space<hbm>>
      tpu.wait_dma2 semaphore(%run_scoped3A : memref<!tpu.dma_semaphore, #tpu.memory_space<semaphore_mem>>) src(%dma_wait3A_28 : memref<2048xf32, #tpu.memory_space<hbm>>) dst(%arg6 : memref<2048xf32, #tpu.memory_space<vmem>>)
      tpu.yield
    }) : () -> ()
    "tpu.region"() ({
      %run_scoped3A = tpu.sem_alloc : memref<!tpu.dma_semaphore, #tpu.memory_space<semaphore_mem>>
      %dma_start3A = tpu.memref_slice %arg3[%mul3A_2] : memref<1024xi32, #tpu.memory_space<hbm>> -> memref<32xi32, #tpu.memory_space<hbm>>
      %dma_start3A_27 = tpu.memref_slice %arg3[%mul3A_2] : memref<1024xi32, #tpu.memory_space<hbm>> -> memref<32xi32, #tpu.memory_space<hbm>>
      tpu.enqueue_dma source(%dma_start3A_27 : memref<32xi32, #tpu.memory_space<hbm>>) target(%arg5 : memref<32xi32, #tpu.memory_space<vmem>>) target_semaphore(%run_scoped3A : memref<!tpu.dma_semaphore, #tpu.memory_space<semaphore_mem>>)
      %dma_wait3A = tpu.memref_slice %arg3[%mul3A_2] : memref<1024xi32, #tpu.memory_space<hbm>> -> memref<32xi32, #tpu.memory_space<hbm>>
      %dma_wait3A_28 = tpu.memref_slice %arg3[%mul3A_2] : memref<1024xi32, #tpu.memory_space<hbm>> -> memref<32xi32, #tpu.memory_space<hbm>>
      tpu.wait_dma2 semaphore(%run_scoped3A : memref<!tpu.dma_semaphore, #tpu.memory_space<semaphore_mem>>) src(%dma_wait3A_28 : memref<32xi32, #tpu.memory_space<hbm>>) dst(%arg5 : memref<32xi32, #tpu.memory_space<vmem>>)
      tpu.yield
    }) : () -> ()
    %iota3A = tpu.iota {dimensions = array<i32: 0>} : vector<16xi32>
    %add3A_5 = arith.constant 0 : i32
    %add3A_6 = vector.broadcast %add3A_5 : i32 to vector<16xi32>
    %add3A_7 = arith.addi %add3A_6, %iota3A : vector<16xi32>
    %mul3A_8 = arith.constant 64 : i32
    %mul3A_9 = vector.broadcast %mul3A_8 : i32 to vector<16xi32>
    %mul3A_10 = arith.muli %add3A_7, %mul3A_9 : vector<16xi32>
    %get3A = arith.constant 0 : index
    %get3A_11 = tpu.vector_load %arg5[%get3A] {strides = array<i32>} : memref<32xi32, #tpu.memory_space<vmem>>, vector<16xi32>,
    %add3A_12 = arith.addi %mul3A_10, %get3A_11 : vector<16xi32>
    %gather3A = tpu.vector_load_idx %arg6[%add3A_12] : memref<2048xf32, #tpu.memory_space<vmem>>[vector<16xi32>], vector<16xf32>,
    %swap3A = arith.constant 0 : index
    %swap3A_13 = tpu.vector_load %arg7[%swap3A] {strides = array<i32>} : memref<32xf32, #tpu.memory_space<vmem>>, vector<16xf32>,
    tpu.vector_store %arg7[%swap3A], %gather3A {strides = array<i32>} : memref<32xf32, #tpu.memory_space<vmem>>, vector<16xf32>,
    %iota3A_14 = tpu.iota {dimensions = array<i32: 0>} : vector<16xi32>
    %add3A_15 = arith.constant 16 : i32
    %add3A_16 = vector.broadcast %add3A_15 : i32 to vector<16xi32>
    %add3A_17 = arith.addi %add3A_16, %iota3A_14 : vector<16xi32>
    %mul3A_18 = arith.constant 64 : i32
    %mul3A_19 = vector.broadcast %mul3A_18 : i32 to vector<16xi32>
    %mul3A_20 = arith.muli %add3A_17, %mul3A_19 : vector<16xi32>
    %get3A_21 = arith.constant 16 : index
    %get3A_22 = tpu.vector_load %arg5[%get3A_21] {strides = array<i32>} : memref<32xi32, #tpu.memory_space<vmem>>, vector<16xi32>,
    %add3A_23 = arith.addi %mul3A_20, %get3A_22 : vector<16xi32>
    %gather3A_24 = tpu.vector_load_idx %arg6[%add3A_23] : memref<2048xf32, #tpu.memory_space<vmem>>[vector<16xi32>], vector<16xf32>,
    %swap3A_25 = arith.constant 16 : index
    %swap3A_26 = tpu.vector_load %arg7[%swap3A_25] {strides = array<i32>} : memref<32xf32, #tpu.memory_space<vmem>>, vector<16xf32>,
    tpu.vector_store %arg7[%swap3A_25], %gather3A_24 {strides = array<i32>} : memref<32xf32, #tpu.memory_space<vmem>>, vector<16xf32>,
    "tpu.region"() ({
      %run_scoped3A = tpu.sem_alloc : memref<!tpu.dma_semaphore, #tpu.memory_space<semaphore_mem>>
      %dma_start3A = tpu.memref_slice %arg4[%mul3A_2] : memref<1024xf32, #tpu.memory_space<hbm>> -> memref<32xf32, #tpu.memory_space<hbm>>
      %dma_start3A_27 = tpu.memref_slice %arg4[%mul3A_2] : memref<1024xf32, #tpu.memory_space<hbm>> -> memref<32xf32, #tpu.memory_space<hbm>>
      tpu.enqueue_dma source(%arg7 : memref<32xf32, #tpu.memory_space<vmem>>) target(%dma_start3A_27 : memref<32xf32, #tpu.memory_space<hbm>>) target_semaphore(%run_scoped3A : memref<!tpu.dma_semaphore, #tpu.memory_space<semaphore_mem>>)
      %dma_wait3A = tpu.memref_slice %arg4[%mul3A_2] : memref<1024xf32, #tpu.memory_space<hbm>> -> memref<32xf32, #tpu.memory_space<hbm>>
      %dma_wait3A_28 = tpu.memref_slice %arg4[%mul3A_2] : memref<1024xf32, #tpu.memory_space<hbm>> -> memref<32xf32, #tpu.memory_space<hbm>>
      tpu.wait_dma2 semaphore(%run_scoped3A : memref<!tpu.dma_semaphore, #tpu.memory_space<semaphore_mem>>) src(%arg7 : memref<32xf32, #tpu.memory_space<vmem>>) dst(%dma_wait3A_28 : memref<32xf32, #tpu.memory_space<hbm>>)
      tpu.yield
    }) : () -> ()
    return
  }
}

module attributes {stable_mosaic.version = 14 : i64} {
  func.func @_scores_body(%arg0: i32, %arg1: memref<32x512x128xf32, #tpu.memory_space<vmem>>, %arg2: memref<32x128x128xf32, #tpu.memory_space<vmem>>, %arg3: memref<32x128x1xf32, #tpu.memory_space<vmem>>, %arg4: memref<1024x512xf32, #tpu.memory_space<vmem>>, %arg5: memref<1024x64xf32, #tpu.memory_space<vmem>>, %arg6: memref<64x512xf32, #tpu.memory_space<vmem>>) attributes {dimension_semantics = [#tpu.dimension_semantics<arbitrary>], iteration_bounds = array<i64: 3>, scalar_prefetch = 0 : i64, scratch_operands = 1 : i64, tpu.core_type = #tpu.core_type<tc>, window_params = [{transform_indices = @transform_0, window_bounds = array<i64: 32, 512, 128>}, {transform_indices = @transform_1, window_bounds = array<i64: 32, 128, 128>}, {transform_indices = @transform_2, window_bounds = array<i64: 32, 128, 1>}, {pipeline_mode = #tpu.pipeline_mode<synchronous>, transform_indices = @transform_3, window_bounds = array<i64: 1024, 512>}, {pipeline_mode = #tpu.pipeline_mode<synchronous>, transform_indices = @transform_4, window_bounds = array<i64: 1024, 64>}]} {
    %lt3A = arith.constant 2 : i32
    %lt3A_0 = arith.cmpi slt, %arg0, %lt3A : i32
    %convert_element_type3A = arith.extui %lt3A_0 : i1 to i32
    %cond3A = arith.constant 0 : i32
    %cond3A_1 = arith.cmpi ne, %convert_element_type3A, %cond3A : i32
    scf.if %cond3A_1 {
      %get3A = arith.constant 0 : index
      %get3A_6 = arith.constant 0 : index
      %get3A_7 = arith.constant 0 : index
      %get3A_8 = vector.load %arg1[%get3A, %get3A_6, %get3A_7] : memref<32x512x128xf32, #tpu.memory_space<vmem>>, vector<32x512x128xf32>
      %get3A_9 = arith.constant 0 : index
      %get3A_10 = arith.constant 0 : index
      %get3A_11 = arith.constant 0 : index
      %get3A_12 = vector.load %arg2[%get3A_9, %get3A_10, %get3A_11] : memref<32x128x128xf32, #tpu.memory_space<vmem>>, vector<32x128x128xf32>
      %get3A_13 = arith.constant 0 : index
      %get3A_14 = arith.constant 0 : index
      %get3A_15 = arith.constant 0 : index
      %get3A_16 = vector.load %arg3[%get3A_13, %get3A_14, %get3A_15] : memref<32x128x1xf32, #tpu.memory_space<vmem>>, vector<32x128x1xf32>
      %dot_general3A = arith.constant dense<0.000000e+00> : vector<32x1x128xf32>
      %dot_general3A_17 = tpu.matmul %get3A_16, %get3A_12, %dot_general3A {dimension_numbers = #tpu.dot_dimension_numbers<[1], [2], [2], [1], [0, 0, 0, 2, 1, 1], [0], [0]>, transpose_lhs_hint = false} : vector<32x128x1xf32>, vector<32x128x128xf32>, vector<32x1x128xf32> -> vector<32x1x128xf32>
      %dot_general3A_18 = arith.constant dense<0.000000e+00> : vector<32x1x512xf32>
      %dot_general3A_19 = tpu.matmul %dot_general3A_17, %get3A_8, %dot_general3A_18 {dimension_numbers = #tpu.dot_dimension_numbers<[2], [2], [1], [1], [0, 0, 0, 1, 1, 1], [0], [0]>, transpose_lhs_hint = false} : vector<32x1x128xf32>, vector<32x512x128xf32>, vector<32x1x512xf32> -> vector<32x1x512xf32>
      %reshape3A = vector.shape_cast %dot_general3A_19 : vector<32x1x512xf32> to vector<32x512xf32>
      %mul3A = arith.constant 32 : i32
      %mul3A_20 = arith.muli %arg0, %mul3A : i32
      %swap3A = arith.index_cast %mul3A_20 : i32 to index
      %swap3A_21 = arith.constant 0 : index
      %swap3A_22 = vector.load %arg6[%swap3A, %swap3A_21] : memref<64x512xf32, #tpu.memory_space<vmem>>, vector<32x512xf32>
      tpu.vector_store %arg6[%swap3A, %swap3A_21], %reshape3A {strides = array<i32>} : memref<64x512xf32, #tpu.memory_space<vmem>>, vector<32x512xf32>,
    } else {
    }
    %eq3A = arith.constant 2 : i32
    %eq3A_2 = arith.cmpi eq, %arg0, %eq3A : i32
    %convert_element_type3A_3 = arith.extui %eq3A_2 : i1 to i32
    %cond3A_4 = arith.constant 0 : i32
    %cond3A_5 = arith.cmpi ne, %convert_element_type3A_3, %cond3A_4 : i32
    scf.if %cond3A_5 {
      %get3A = arith.constant 0 : index
      %get3A_6 = arith.constant 0 : index
      %get3A_7 = vector.load %arg4[%get3A, %get3A_6] : memref<1024x512xf32, #tpu.memory_space<vmem>>, vector<1024x512xf32>
      %get3A_8 = arith.constant 0 : index
      %get3A_9 = arith.constant 0 : index
      %get3A_10 = vector.load %arg6[%get3A_8, %get3A_9] : memref<64x512xf32, #tpu.memory_space<vmem>>, vector<64x512xf32>
      %dot_general3A = arith.constant dense<0.000000e+00> : vector<1024x64xf32>
      %dot_general3A_11 = tpu.matmul %get3A_7, %get3A_10, %dot_general3A {dimension_numbers = #tpu.dot_dimension_numbers<[1], [1], [0], [0], [0, 0, 1, 0], [], []>, transpose_lhs_hint = false} : vector<1024x512xf32>, vector<64x512xf32>, vector<1024x64xf32> -> vector<1024x64xf32>
      %swap3A = arith.constant 0 : index
      %swap3A_12 = arith.constant 0 : index
      %swap3A_13 = vector.load %arg5[%swap3A, %swap3A_12] : memref<1024x64xf32, #tpu.memory_space<vmem>>, vector<1024x64xf32>
      tpu.vector_store %arg5[%swap3A, %swap3A_12], %dot_general3A_11 {strides = array<i32>} : memref<1024x64xf32, #tpu.memory_space<vmem>>, vector<1024x64xf32>,
    } else {
    }
    return
  }
  func.func @transform_0(%arg0: i32) -> (i32, i32, i32) {
    %min3A = arith.constant 1 : i32
    %min3A_0 = arith.minsi %arg0, %min3A : i32
    %c0_i32 = arith.constant 0 : i32
    %c0_i32_1 = arith.constant 0 : i32
    %c0_i32_2 = arith.constant 0 : i32
    return %min3A_0, %c0_i32, %c0_i32_1 : i32, i32, i32
  }
  func.func @transform_1(%arg0: i32) -> (i32, i32, i32) {
    %min3A = arith.constant 1 : i32
    %min3A_0 = arith.minsi %arg0, %min3A : i32
    %c0_i32 = arith.constant 0 : i32
    %c0_i32_1 = arith.constant 0 : i32
    %c0_i32_2 = arith.constant 0 : i32
    return %min3A_0, %c0_i32, %c0_i32_1 : i32, i32, i32
  }
  func.func @transform_2(%arg0: i32) -> (i32, i32, i32) {
    %min3A = arith.constant 1 : i32
    %min3A_0 = arith.minsi %arg0, %min3A : i32
    %c0_i32 = arith.constant 0 : i32
    %c0_i32_1 = arith.constant 0 : i32
    %c0_i32_2 = arith.constant 0 : i32
    return %min3A_0, %c0_i32, %c0_i32_1 : i32, i32, i32
  }
  func.func @transform_3(%arg0: i32) -> (i32, i32) {
    %c0_i32 = arith.constant 0 : i32
    %c0_i32_0 = arith.constant 0 : i32
    %c0_i32_1 = arith.constant 0 : i32
    return %c0_i32, %c0_i32_0 : i32, i32
  }
  func.func @transform_4(%arg0: i32) -> (i32, i32) {
    %c0_i32 = arith.constant 0 : i32
    %c0_i32_0 = arith.constant 0 : i32
    %c0_i32_1 = arith.constant 0 : i32
    return %c0_i32, %c0_i32_0 : i32, i32
  }
}

</mosaic_0001>

<sc_bundles>
// kernel: kernel.4.cloned.1.call-start
scs
__scs_entry_jumppad:
0x0: {  	(pc) =	sbr.rel $0x88, $3  }
0x1: {  	(tag) =	ssettag $0x0;
	lr =	simm.s32 $0x1  }
0x2: {  	[smem:$0x3F9C] =	sst lr;
	_ =	strace $0xD0000000  }
0x3: {  	_ = 	snop  }
0x4: {  	_ = 	snop  }
0x5: {  	_ = 	snop  }
0x6: {  	_ = 	snop  }
0x7: {  	_ = 	snop  }
__scs_overlays_trampoline_lowered:
0x8: {  	[smem:$0x3FAB] =	sst s0  }
0x9: {  	[smem:$0x3FAC] =	sst s1  }
0xa: {  	[smem:$0x3FAD] =	sst s2  }
0xb: {  	[smem:$0x3FAE] =	sst s3  }
0xc: {  	[smem:$0x3FAF] =	sst s4  }
0xd: {  	[smem:$0x3FB0] =	sst s5  }
0xe: {  	[smem:$0x3FB1] =	sst s6  }
0xf: {  	[smem:$0x3FB2] =	sst s7  }
0x10: {  	[smem:$0x3FB3] =	sst s8  }
0x11: {  	[smem:$0x3FB4] =	sst s9;
	s0 =	simm.s32 @!p0 $0x0  }
0x12: {  	s1 =	sld [smem:$0x3F9A];
	s0 =	simm.s32 @p0 $0x1  }
0x13: {  	[smem:$0x3FB5] =	sst s0;
	s0 =	simm.s32 @!p1 $0x0  }
0x14: {  	s2 =	sld [smem:$0x3F99];
	s0 =	simm.s32 @p1 $0x1  }
0x15: {  	[smem:$0x3FB6] =	sst s0;
	s0 =	simm.s32 @!p2 $0x0  }
0x16: {  	s3 =	sld [smem:$0x3FDB];
	s0 =	simm.s32 @p2 $0x1  }
0x17: {  	s4 =	simm.s32 $0x1BF5;
	[smem:$0x3FB8] =	sst s0  }
0x18: {  	s0 =	sld [smem:$0x3F9B];
	_ =	swait.ge [sflag:s4], $0x0  }
0x19: {  	s7 =	sld [smem:$0x3F9C]  }
0x1a: {  	s8 =	sadd.s32 $0xFFFFE003, lr  }
0x1b: {  	s9 =	sadd.s32 $0xFFFFFEF7, lr;
	s5 =	simm.s32 $0xFFFFFFFF;
	p2 =	slt.u32 s8, $0xFFFFF086  }
0x1c: {  	p1 =	slt.u32 s9, $0xF7A;
	s5 =	simm.s32 @!p2 $0x0  }
0x1d: {  	s5 =	simm.s32 @p1 $0x1;
	p0 =	seq.s32 s7, s2  }
0x1e: {  	s7 =	smul.u32 @!p0 $0xF7A, s2;
	p2 =	seq.s32 @!p0 s5, $0x0  }
0x1f: {  	s9 =	smul.u32 $0xF7A, s1;
	s8 =	simm.s32 @!p0 $0x1BF5;
	p2 =	por !p2, p0  }
0x20: {  	[sflag:s8] =	ssyncset.s32 @!p0 $0xFFFFF086;
	s6 =	sadd.s32 @!p0 s3, s7;
	s7 =	simm.s32 @!p0 $0x108  }
0x21: {  	s3 =	sadd.s32 s3, s9;
	s6 =	sadd.s32 @!p0 $0x88, s6;
	s7 =	simm.s32 @p2 $0x1082  }
0x22: {  	[simem:s7], [sflag:s8] =	dma.local @!p0 [hbm:s6], $0xF7A  }
0x23: {  	s9 =	sor.u32 $0xD0000000, s2;
	s6 =	simm.s32 $0x108;
	_ =	swait.ge @!p0 [sflag:s8], $0x0  }
0x24: {  	s3 =	sadd.s32 $0x88, s3;
	s6 =	simm.s32 @!p1 $0x1082;
	[sflag:s4] =	ssyncset.s32 $0xFFFFF086  }
0x25: {  	[simem:s6], [sflag:s4] =	dma.local [hbm:s3], $0xF7A  }
0x26: {  	[smem:$0x3F9C] =	sst s1;
	(tag) =	ssettag s2;
	_ =	strace s9  }
0x27: {  	s1 =	sld [smem:$0x3FAC]  }
0x28: {  	s2 =	sld [smem:$0x3FAD]  }
0x29: {  	s4 =	sld [smem:$0x3FAF]  }
0x2a: {  	p0 =	seq.s32 s5, $0x0;
	s5 =	sld [smem:$0x3FB0]  }
0x2b: {  	s6 =	sld [smem:$0x3FB1]  }
0x2c: {  	s7 =	sld [smem:$0x3FB2]  }
0x2d: {  	s3 =	simm.s32 $0x108;
	s8 =	sld [smem:$0x3FB3]  }
0x2e: {  	s3 =	simm.s32 @!p0 $0x1082;
	s9 =	sld [smem:$0x3FB4]  }
0x2f: {  	lr =	sadd.s32 s0, s3;
	s0 =	sld [smem:$0x3FAB]  }
0x30: {  	s3 =	sld [smem:$0x3FAE]  }
0x31: {  	[smem:$0x3FB7] =	sst s10  }
0x32: {  	s10 =	sld [smem:$0x3FB5];
	_ =	sdelay $0x3  }
0x33: {  	p0 =	seq.s32 s10, $0x1;
	s10 =	sld [smem:$0x3FB7];
	_ =	sdelay $0x3  }
0x34: {  	[smem:$0x3FB7] =	sst s10  }
0x35: {  	s10 =	sld [smem:$0x3FB6];
	_ =	sdelay $0x3  }
0x36: {  	p1 =	seq.s32 s10, $0x1;
	s10 =	sld [smem:$0x3FB7];
	_ =	sdelay $0x3  }
0x37: {  	[smem:$0x3FB7] =	sst s10  }
0x38: {  	s10 =	sld [smem:$0x3FB8]  }
0x39: {  	_ = 	snop;
	(pc) =	sbr.ind lr, $3  }
0x3a: {  	_ = 	snop  }
0x3b: {  	_ = 	snop  }
0x3c: {  	p2 =	seq.s32 s10, $0x1;
	s10 =	sld [smem:$0x3FB7]  }
0x3d: {  	_ =	shalt  }
0x3e: {  	_ =	shalt  }
0x3f: {  	_ =	shalt  }
0x40: {  	_ =	shalt  }
0x41: {  	_ =	shalt  }
0x42: {  	_ =	shalt  }
0x43: {  	_ =	shalt  }
0x44: {  	_ =	shalt  }
0x45: {  	_ =	shalt  }
0x46: {  	_ =	shalt  }
0x47: {  	_ =	shalt  }
0x48: {  	_ =	shalt  }
0x49: {  	_ =	shalt  }
0x4a: {  	_ =	shalt  }
0x4b: {  	_ =	shalt  }
0x4c: {  	_ =	shalt  }
0x4d: {  	_ =	shalt  }
0x4e: {  	_ =	shalt  }
0x4f: {  	_ =	shalt  }
0x50: {  	_ =	shalt  }
0x51: {  	_ =	shalt  }
0x52: {  	_ =	shalt  }
0x53: {  	_ =	shalt  }
0x54: {  	_ =	shalt  }
0x55: {  	_ =	shalt  }
0x56: {  	_ =	shalt  }
0x57: {  	_ =	shalt  }
0x58: {  	_ =	shalt  }
0x59: {  	_ =	shalt  }
0x5a: {  	_ =	shalt  }
0x5b: {  	_ =	shalt  }
0x5c: {  	_ =	shalt  }
0x5d: {  	_ =	shalt  }
0x5e: {  	_ =	shalt  }
0x5f: {  	_ =	shalt  }
0x60: {  	_ =	shalt  }
0x61: {  	_ =	shalt  }
0x62: {  	_ =	shalt  }
0x63: {  	_ =	shalt  }
0x64: {  	_ =	shalt  }
0x65: {  	_ =	shalt  }
0x66: {  	_ =	shalt  }
0x67: {  	_ =	shalt  }
0x68: {  	_ =	shalt  }
0x69: {  	_ =	shalt  }
0x6a: {  	_ =	shalt  }
0x6b: {  	_ =	shalt  }
0x6c: {  	_ =	shalt  }
0x6d: {  	_ =	shalt  }
0x6e: {  	_ =	shalt  }
0x6f: {  	_ =	shalt  }
0x70: {  	_ =	shalt  }
0x71: {  	_ =	shalt  }
0x72: {  	_ =	shalt  }
0x73: {  	_ =	shalt  }
0x74: {  	_ =	shalt  }
0x75: {  	_ =	shalt  }
0x76: {  	_ =	shalt  }
0x77: {  	_ =	shalt  }
0x78: {  	_ =	shalt  }
0x79: {  	_ =	shalt  }
0x7a: {  	_ =	shalt  }
0x7b: {  	_ =	shalt  }
0x7c: {  	_ =	shalt  }
0x7d: {  	_ =	shalt  }
0x7e: {  	_ =	shalt  }
0x7f: {  	_ =	shalt  }
0x80: {  	_ =	shalt  }
0x81: {  	_ =	shalt  }
0x82: {  	_ =	shalt  }
0x83: {  	_ =	shalt  }
0x84: {  	_ =	shalt  }
0x85: {  	_ =	shalt  }
0x86: {  	_ =	shalt  }
0x87: {  	_ =	shalt  }
.Lfunc_end0:
.L_simem_size_0:
called_computation_lowered:
.L_overlay_start_0:
0x88: {  	s2 =	sld [smem:$0x3FD9]  }
0x89: {  	s3 =	sld [smem:$0x3FFE];
	_ =	sdelay $0x1  }
0x8a: {  	s1 =	srdreg.scid  }
0x8b: {  	s0 =	sand.u32 $0x1, s1  }
0x8c: {  	s17 =	sshll.u32 s0, $0xA;
	s2 =	sadd.s32 s3, s2  }
0x8d: {  	s2 =	sadd.s32 s2, s17  }
0x8e: {  	[smem:$0x3FC3] =	sst s2  }
0x8f: {  	_ = 	snop  }
0x90: {  	s2 =	sld [smem:$0x3FC8]  }
0x91: {  	s18 =	sld [smem:$0x3FD0];
	(tm) =	ssettm $0x1  }
0x92: {  	s4 =	sld [smem:$0x3FFB];
	_ =	sdelay $0x3  }
0x93: {  	_ =	strace s4  }
0x94: {  	s4 =	sld [smem:$0x3FFC];
	_ =	sdelay $0x3  }
0x95: {  	_ =	strace s4  }
0x96: {  	s4 =	sld [smem:$0x3FFD];
	_ =	sdelay $0x3  }
0x97: {  	_ =	strace s4  }
0x98: {  	_ =	strace $0x8FFFFFFF  }
0x99: {  	s19 =	sld [smem:$0x3FDB];
	_ =	sdelay $0x1  }
0x9a: {  	s5 =	simm.s32 $_scs_section_size  }
0x9b: {  	s6 =	simm.s32 $_size__tile_overlayer_lowered;
	s7 =	simm.s32 $_tile_overlayer_lowered  }
0x9c: {  	s22 =	simm.s32 $0x1BFF;
	s21 =	sshll.u32 s7, $0x1;
	s4 =	sadd.s32 s5, s19  }
0x9d: {  	s8 =	simm.s32 $0x0;
	s20 =	sshll.u32 s6, $0x1;
	s6 =	sadd.s32 s21, s4  }
0x9e: {  	[timem:s8], [sflag:s22] =	dma.local [hbm:s6], s20  }
0x9f: {  	_ =	swait.ge [sflag:s22], s20  }
0xa0: {  	s5 =	ssub.s32 $0x0, s20;
	[sflag:s22] =	ssyncset.done $0x0  }
0xa1: {  	[sflag:s22] =	ssyncadd.s32 s5;
	_ =	sdelay $0x1  }
0xa2: {  	s23 =	simm.s32 $0x1B8B  }
0xa3: {  	_ =	swait.ge [sflag:s23], $0x1  }
0xa4: {  	[sflag:s23] =	ssyncset.done $0x0  }
0xa5: {  	s25 =	simm.s32 $0x1B8E;
	s24 =	sld [smem:$0x3FFE];
	[sflag:s23] =	ssyncadd.s32 $0xFFFFFFFF  }
0xa6: {  	s26 =	simm.s32 $execute0_lowered;
	[smem:$0x3FD2] =	sst s25  }
0xa7: {  	s6 =	sshll.u32 s26, $0x1;
	_ =	strace $0x80000046;
	[dreg:$0x1] =	wrdreg $0xFFFFFFFF  }
0xa8: {  	s28 =	simm.s32 $_size_execute0_lowered;
	s4 =	sadd.s32 s4, s6;
	[dreg:$0x0] =	wrdreg $0x0  }
0xa9: {  	s6 =	sshll.u32 s28, $0x1;
	[dreg:$0x2] =	wrdreg s4  }
0xaa: {  	[dreg:$0x3] =	wrdreg s6  }
0xab: {  	[dreg:$0x4] =	wrdreg $0xC0  }
0xac: {  	_ =	task [dreg:s8], $0x5FFFF  }
0xad: {  	[dreg:$0x1] =	wrdreg $0xFFFFFFFF  }
0xae: {  	[dreg:$0x0] =	wrdreg $0x60  }
0xaf: {  	[dreg:$0x2] =	wrdreg s24  }
0xb0: {  	[dreg:$0x3] =	wrdreg s2  }
0xb1: {  	[dreg:$0x4] =	wrdreg s18  }
0xb2: {  	[dreg:$0x5] =	wrdreg $0x9  }
0xb3: {  	_ =	task.clear_ibuf [dreg:s8], $0x6FFFF;
	_ =	strace $0x90000046  }
0xb4: {  	s29 =	simm.s32 $0x9;
	_ =	strace $0x80000048  }
0xb5: {  	_ =	swait.ge [sflag:s29], $0x1  }
0xb6: {  	[sflag:s29] =	ssyncadd.s32 $0xFFFFFFFF  }
0xb7: {  	_ =	strace $0x90000048  }
0xb8: {  	_ =	sfence  }
0xb9: {  	s30 =	sld [smem:$0x0];
	_ =	sdelay $0x2  }
0xba: {  	s31 =	sshll.u32 s1, $0xD;
	s1 =	sshrl.u32 s1, $0x2  }
0xbb: {  	s3 =	sand.u32 $0x4000, s31;
	s1 =	sadd.s32 s1, s30  }
0xbc: {  	s0 =	sor.u32 s3, s0;
	s1 =	sshll.u32 s1, $0x11  }
0xbd: {  	s0 =	sor.u32 s1, s0  }
0xbe: {  	s0 =	sadd.s32 $0x8F2B, s0  }
0xbf: {  	[sflag:s0] =	ssyncadd.remote.s32 $0x1  }
0xc0: {  	_ =	sfence.sel $0xFFFF  }
0xc1: {  	[dreg:$0x0] =	wrdreg $0xFFFFFFFF;
	(pc) =	sbr.abs _section_cstart, $3  }
0xc2: {  	[dreg:$0x1] =	wrdreg $0xFFFFFFFF  }
0xc3: {  	_ =	task.clear_ibuf [dreg:s8], $0x2FFFF;
	_ =	strace $0x9FFFFFFF  }
0xc4: {  	(tm) =	ssettm $0x7FFFFFFF  }
0xc5: {  	_ =	shalt  }
tec
execute0_lowered:
.L_overlay_start_1:
0x0: {  	(tag) =	ssettag $0x1  }
0x1: {  	s3 =	rddreg [dreg:$0x0]  }
0x2: {  	s1 =	srdreg.scid;
	s0 =	stileid.u32  }
0x3: {  	s6 =	rddreg [dreg:$0x1];
	s8 =	sand.u32 $0x1, s1;
	s4 =	sshll.u32 s0, $0x1  }
0x4: {  	s7 =	rddreg [dreg:$0x2];
	s9 =	sor.u32 s8, s4  }
0x5: {  	s2 =	simm.s32 $0x0;
	s1 =	rddreg [dreg:$0x3];
	s4 =	sshll.u32 s9, $0x8  }
0x6: {  	s5 =	simm.s32 $0x80;
	[smem:$0x7FF] =	sst s2;
	s3 =	sadd.s32 s4, s3  }
0x7: {  	_ =	strace $0x80000047;
	s4 =	simm.s32 $0x1;
	s3 =	sadd.s32 $0x800, s3  }
0x8: {  	[tilespmem:s5], [sflag:$0x1] =	stream.linear.gather [hbm4b:s3+s2], $0x800, $0x38;
	[tilespmem:$0x900] =	vst v63  }
0x9: {  	_ =	swait.ge [sflag:s4], $0x800  }
0xa: {  	s9 =	sshll.u32 s9, $0x2;
	[sflag:s4] =	ssyncset.done $0x0  }
0xb: {  	s6 =	sadd.s32 s6, s9;
	[sflag:s4] =	ssyncadd.s32 $0xFFFFF800  }
0xc: {  	[tilespmem:s2], [sflag:$0x1] =	stream.linear.gather [hbm4b:s6+s2], $0x20, $0x38;
	[tilespmem:$0x900] =	vst v63  }
0xd: {  	_ =	swait.ge [sflag:s4], $0x20  }
0xe: {  	[sflag:s4] =	ssyncset.done $0x0  }
0xf: {  	[sflag:s4] =	ssyncadd.s32 $0xFFFFFFE0  }
0x10: {  	v1 =	vld [tilespmem:$0x0];
	_ =	sdelay $0x1  }
0x11: {  	v0 =	vlaneseq.u32  }
0x12: {  	v0 =	vmul.u32 $0x40, v0;
	_ =	sdelay $0x1  }
0x13: {  	v2 =	vadd.s32 v0, v1  }
0x14: {  	v3 =	vld [tilespmem:$0x10];
	_ =	sdelay $0x3  }
0x15: {  	v1 =	vor.u32 $0x400, v0;
	v2 =	vld.idx.msk [tilespmem:v2+s5+$0x0], $0xffff  }
0x16: {  	v3 =	vadd.s32 v1, v3;
	_ =	sdelay $0x3  }
0x17: {  	s8 =	ssub.s32 $0x2, s8;
	[tilespmem:$0x880] =	vst v2  }
0x18: {  	s10 =	sshrl.u32 s8, $0x1;
	v2 =	vld.idx.msk [tilespmem:v3+s5+$0x0], $0xffff  }
0x19: {  	s8 =	ssub.s32 s8, s10  }
0x1a: {  	s31 =	smax.u32 s8, $0x1  }
0x1b: {  	p0 =	sne.s32 s31, $0x1  }
.Ltmp0:
0x1c: {  	_ = 	snop;
	(pc) =	sbr.rel @!p0 .LBB2_2-.Ltmp0, $4  }
0x1d: {  	s7 =	sadd.s32 s7, s9;
	s8 =	simm.s32 $0x880;
	[tilespmem:$0x890] =	vst v2  }
0x1e: {  	[hbm4b:s7+s2] =	stream.linear.scatter [tilespmem:s8], [sflag:$0x1], $0x20, $0x38;
	[tilespmem:$0x900] =	vst v63  }
0x1f: {  	_ =	swait.ge [sflag:s4], $0x20  }
0x20: {  	s9 =	sadd.s32 $0xFFFFFFFF, s31;
	[sflag:s4] =	ssyncset.done $0x0  }
.LBB2_1:
0x21: {  	p0 =	sne.s32 s9, $0x1;
	s9 =	sadd.s32 $0xFFFFFFFF, s9;
	[sflag:s4] =	ssyncadd.s32 $0xFFFFFFE0  }
0x22: {  	[tilespmem:s5], [sflag:$0x1] =	stream.linear.gather [hbm4b:s3+s2], $0x800, $0x38;
	[tilespmem:$0x900] =	vst v63  }
0x23: {  	_ =	swait.ge [sflag:s4], $0x800  }
0x24: {  	[sflag:s4] =	ssyncset.done $0x0  }
0x25: {  	[sflag:s4] =	ssyncadd.s32 $0xFFFFF800  }
0x26: {  	[tilespmem:s2], [sflag:$0x1] =	stream.linear.gather [hbm4b:s6+s2], $0x20, $0x38;
	[tilespmem:$0x900] =	vst v63  }
0x27: {  	_ =	swait.ge [sflag:s4], $0x20  }
0x28: {  	[sflag:s4] =	ssyncset.done $0x0  }
0x29: {  	[sflag:s4] =	ssyncadd.s32 $0xFFFFFFE0  }
0x2a: {  	v2 =	vld [tilespmem:$0x0]  }
0x2b: {  	v3 =	vld [tilespmem:$0x10];
	_ =	sdelay $0x3  }
0x2c: {  	v2 =	vadd.s32 v0, v2;
	_ =	sdelay $0x4  }
0x2d: {  	v2 =	vld.idx.msk [tilespmem:v2+s5+$0x0], $0xffff;
	_ =	sdelay $0x1  }
0x2e: {  	v3 =	vadd.s32 v1, v3;
	_ =	sdelay $0x3  }
0x2f: {  	[tilespmem:$0x880] =	vst v2  }
0x30: {  	v2 =	vld.idx.msk [tilespmem:v3+s5+$0x0], $0xffff;
	_ =	sdelay $0x4  }
.Ltmp1:
0x31: {  	(pc) =	sbr.rel @p0 .LBB2_1-.Ltmp1, $4  }
0x32: {  	[tilespmem:$0x890] =	vst v2  }
0x33: {  	[hbm4b:s7+s2] =	stream.linear.scatter [tilespmem:s8], [sflag:$0x1], $0x20, $0x38;
	[tilespmem:$0x900] =	vst v63  }
0x34: {  	_ =	swait.ge [sflag:s4], $0x20  }
0x35: {  	[sflag:s4] =	ssyncset.done $0x0  }
.LBB2_2:
0x36: {  	[sflag:s4] =	ssyncadd.s32 $0xFFFFFFE0  }
0x37: {  	_ =	sfence.sel $0x180000  }
0x38: {  	[bflag:$0x0] =	sbarrier.arrive $0xFFFF  }
0x39: {  	p0 =	sne.s32 s0, $0x0;
	_ =	strace $0x90000047  }
0x3a: {  	s0 =	sadd.s32 @!p0 $0x100000, s1;
	[bflag:$0x2] =	sbarrier.arrive $0xFFFF  }
0x3b: {  	[sflag:s0] =	ssyncadd.tile.s32 @!p0 $0x1;
	_ =	shalt  }
.Lfunc_end2:
_tile_overlayer_lowered:
.L_overlay_start_2:
0x3c: {  	(tag) =	ssettag $0x2  }
0x3d: {  	s0 =	rddreg [dreg:$0x0];
	s2 =	stileid.u32  }
0x3e: {  	s1 =	rddreg [dreg:$0x1];
	p0 =	sne.s32 s2, $0x0  }
0x3f: {  	s3 =	rddreg [dreg:$0x2];
	[bflag:$0x3] =	sbarrier.arrive $0xFFFF;
	s2 =	simm.s32 @!p0 $0x1C01  }
0x40: {  	[timem:s3], [sflag:s2] =	dma.local @!p0 [hbm:s0], s1  }
0x41: {  	s0 =	simm.s32 @!p0 $0x1  }
0x42: {  	_ =	swait.ge @!p0 [sflag:s0], s1  }
0x43: {  	s1 =	ssub.s32 @!p0 $0x0, s1;
	[sflag:s0] =	ssyncset.done @!p0 $0x0  }
0x44: {  	[sflag:s0] =	ssyncadd.s32 @!p0 s1  }
0x45: {  	[bflag:$0x3] =	sbarrier.arrive $0xFFFF  }
0x46: {  	_ =	shalt  }

</sc_bundles>
